<compile_context>
chip_gen: v7x
topology: tpu7x:2x2x1
jax: 0.10.2.dev20260603
libtpu: 0.0.44.dev20260713+nightly
codegen_flags: <defaults>
</compile_context>

<pallas_src>
import functools

import jax
import jax.numpy as jnp
from jax import lax
from jax.experimental import pallas as pl
from jax.experimental.pallas import tpu as pltpu
from jax.experimental.pallas import tpu_sc as plsc

NUM_E = 1024
DIM = 64
N_TOK = 16 * 24 * 24
TILE = 3072
GRID = N_TOK // TILE

NC = 2
NS = 16
NW = NC * NS
B_PER_W = N_TOK // NW

PAD_D = 128


def _argmin_body(x_ref, emb_t_ref, idx_ref, table_ref):
    @pl.when(pl.program_id(0) == 0)
    def _():
        et0 = emb_t_ref[...]
        table_ref[...] = jnp.concatenate(
            [et0.T, jnp.zeros((NUM_E, PAD_D - DIM), jnp.float32)], axis=1
        )

    x = x_ref[...]
    et = emb_t_ref[...]
    scores2 = lax.dot_general(
        x, et + et, (((1,), (0,)), ((), ())), preferred_element_type=jnp.float32
    )
    x2 = jnp.sum(x * x, axis=1, keepdims=True)
    e2 = jnp.sum(et * et, axis=0, keepdims=True)
    best_v = x2 + e2[:, 0:128] - scores2[:, 0:128]
    best_g = jnp.zeros((TILE, 128), jnp.float32)
    for g in range(1, NUM_E // 128):
        v = x2 + e2[:, 128 * g:128 * (g + 1)] - scores2[:, 128 * g:128 * (g + 1)]
        upd = v < best_v
        best_v = jnp.where(upd, v, best_v)
        best_g = jnp.where(upd, jnp.float32(g), best_g)
    lane = lax.broadcasted_iota(jnp.int32, (TILE, 128), 1).astype(jnp.float32)
    best_c = best_g * 128.0 + lane
    bv_t = best_v.T
    bc_t = best_c.T
    m_t = jnp.min(bv_t, axis=0, keepdims=True)
    idx_f = jnp.min(
        jnp.where(bv_t == m_t, bc_t, jnp.float32(NUM_E)), axis=0
    )
    idx_ref[...] = idx_f.astype(jnp.int32)


_argmin_call = pl.pallas_call(
    _argmin_body,
    grid=(GRID,),
    in_specs=[
        pl.BlockSpec((TILE, DIM), lambda i: (i, 0)),
        pl.BlockSpec((DIM, NUM_E), lambda i: (0, 0)),
    ],
    out_specs=[
        pl.BlockSpec((TILE,), lambda i: (i,)),
        pl.BlockSpec((1024, 128), lambda i: (0, 0)),
    ],
    out_shape=[
        jax.ShapeDtypeStruct((N_TOK,), jnp.int32),
        jax.ShapeDtypeStruct((1024, 128), jnp.float32),
    ],
)


@functools.partial(
    pl.kernel,
    mesh=plsc.VectorSubcoreMesh(core_axis_name="c", subcore_axis_name="s"),
    out_type=jax.ShapeDtypeStruct((N_TOK, PAD_D), jnp.float32),
    scratch_types=[
        pltpu.VMEM((B_PER_W,), jnp.int32),
        pltpu.VMEM((B_PER_W, PAD_D), jnp.float32),
        pltpu.SemaphoreType.DMA,
    ],
)
def _sc_gather(table_hbm, idx_hbm, out_hbm, idx_v, rows_v, sem):
    wid = lax.axis_index("s") * NC + lax.axis_index("c")
    base = wid * B_PER_W
    pltpu.sync_copy(idx_hbm.at[pl.ds(base, B_PER_W)], idx_v)
    pltpu.async_copy(table_hbm.at[idx_v], rows_v, sem).wait()
    pltpu.sync_copy(rows_v, out_hbm.at[pl.ds(base, B_PER_W)])


def kernel(inputs, embeddings):
    flat = jnp.reshape(inputs, (N_TOK, DIM))
    emb_t = embeddings.T
    idx, table_p = _argmin_call(flat, emb_t)
    quantized = _sc_gather(table_p, idx)[:, :DIM]
    return jnp.reshape(quantized, inputs.shape)

# --- scband reference (transcript-rebuilt; emitter-appended) ---
"""Pipeline reference for scband-vector-quantizer-43817256353929 (READ-ONLY COPY).

The authoritative reference and input builder live on the scoring server;
editing this copy changes nothing except your own understanding.
"""

import jax, jax.numpy as jnp
import numpy as np

NUM_EMBEDDINGS = 1024
EMBEDDING_DIM = 64

def setup_inputs(seed: int = 0) -> dict:
    key = jax.random.key(seed)
    k1, k2 = jax.random.split(key)
    inputs = jax.random.normal(k1, (16, 24, 24, EMBEDDING_DIM), dtype=jnp.float32)
    embeddings = jax.random.normal(k2, (NUM_EMBEDDINGS, EMBEDDING_DIM), dtype=jnp.float32) * 0.05
    return {"inputs": inputs, "embeddings": embeddings}

def reference(inputs, embeddings):
    # Flatten spatial dims to (N, D)
    flat_inputs = jnp.reshape(inputs, (-1, EMBEDDING_DIM))
    # Squared L2 distances to every codebook entry
    distances = (
        jnp.sum(flat_inputs ** 2, axis=1, keepdims=True)
        + jnp.sum(embeddings ** 2, axis=1)
        - 2.0 * jnp.matmul(flat_inputs, embeddings.T)
    )
    # Nearest code per position
    encoding_indices = jnp.argmin(distances, axis=1)
    encodings = jax.nn.one_hot(encoding_indices, NUM_EMBEDDINGS, dtype=flat_inputs.dtype)
    # Lookup via one-hot matmul (as in the Keras layer)
    quantized = jnp.matmul(encodings, embeddings)
    quantized = jnp.reshape(quantized, inputs.shape)
    # Straight-through estimator
    quantized_st = inputs + jax.lax.stop_gradient(quantized - inputs)
    return quantized_st

if __name__ == "__main__":
    import jax
    _d = setup_inputs()
    print(jax.jit(kernel)(*tuple(_d.values())))

</pallas_src>

<mosaic_0001>
#map = affine_map<(d0, d1) -> (0, 0)>
#map1 = affine_map<(d0, d1) -> (0)>
module attributes {stable_mosaic.version = 14 : i64} {
  func.func @_sc_gather(%arg0: i32, %arg1: i32, %arg2: memref<1024x128xf32, #tpu.memory_space<hbm>>, %arg3: memref<9216xi32, #tpu.memory_space<hbm>>, %arg4: memref<9216x128xf32, #tpu.memory_space<hbm>>, %arg5: memref<288xi32, #tpu.memory_space<vmem>>, %arg6: memref<288x128xf32, #tpu.memory_space<vmem>>, %arg7: memref<!tpu.dma_semaphore, #tpu.memory_space<semaphore_mem>>) attributes {dimension_semantics = [#tpu.dimension_semantics<core_parallel>, #tpu.dimension_semantics<subcore_parallel>], iteration_bounds = array<i64: 2, 16>, scalar_prefetch = 0 : i64, scratch_operands = 3 : i64, tpu.core_type = #tpu.core_type<sc_vector_subcore>, window_params = [{transform_indices = #map}, {transform_indices = #map1}, {transform_indices = #map}]} {
    %mul3A = arith.constant 2 : i32
    %mul3A_0 = arith.muli %arg1, %mul3A : i32
    %add3A = arith.addi %mul3A_0, %arg0 : i32
    %mul3A_1 = arith.constant 288 : i32
    %mul3A_2 = arith.muli %add3A, %mul3A_1 : i32
    "tpu.region"() ({
      %run_scoped3A = tpu.sem_alloc : memref<!tpu.dma_semaphore, #tpu.memory_space<semaphore_mem>>
      %dma_start3A_7 = tpu.memref_slice %arg3[%mul3A_2] : memref<9216xi32, #tpu.memory_space<hbm>> -> memref<288xi32, #tpu.memory_space<hbm>>
      %dma_start3A_8 = tpu.memref_slice %arg3[%mul3A_2] : memref<9216xi32, #tpu.memory_space<hbm>> -> memref<288xi32, #tpu.memory_space<hbm>>
      tpu.enqueue_dma source(%dma_start3A_8 : memref<288xi32, #tpu.memory_space<hbm>>) target(%arg5 : memref<288xi32, #tpu.memory_space<vmem>>) target_semaphore(%run_scoped3A : memref<!tpu.dma_semaphore, #tpu.memory_space<semaphore_mem>>)
      %dma_wait3A_9 = tpu.memref_slice %arg3[%mul3A_2] : memref<9216xi32, #tpu.memory_space<hbm>> -> memref<288xi32, #tpu.memory_space<hbm>>
      %dma_wait3A_10 = tpu.memref_slice %arg3[%mul3A_2] : memref<9216xi32, #tpu.memory_space<hbm>> -> memref<288xi32, #tpu.memory_space<hbm>>
      tpu.wait_dma2 semaphore(%run_scoped3A : memref<!tpu.dma_semaphore, #tpu.memory_space<semaphore_mem>>) src(%dma_wait3A_10 : memref<288xi32, #tpu.memory_space<hbm>>) dst(%arg5 : memref<288xi32, #tpu.memory_space<vmem>>)
      tpu.yield
    }) : () -> ()
    %dma_start3A = arith.constant 0 : i32
    %dma_start3A_3 = arith.constant 0 : i32
    %dma_start3A_4 = tpu.memref_slice %arg2[%dma_start3A, %dma_start3A_3] : memref<1024x128xf32, #tpu.memory_space<hbm>> -> memref<1024x128xf32, #tpu.memory_space<hbm>>
    tpu.enqueue_indirect_dma source(%dma_start3A_4 : memref<1024x128xf32, #tpu.memory_space<hbm>>) target(%arg6 : memref<288x128xf32, #tpu.memory_space<vmem>>) offsets(%arg5 : memref<288xi32, #tpu.memory_space<vmem>>) semaphore(%arg7 : memref<!tpu.dma_semaphore, #tpu.memory_space<semaphore_mem>>)
    %dma_wait3A = arith.constant 0 : i32
    %dma_wait3A_5 = arith.constant 0 : i32
    %dma_wait3A_6 = tpu.memref_slice %arg2[%dma_wait3A, %dma_wait3A_5] : memref<1024x128xf32, #tpu.memory_space<hbm>> -> memref<1024x128xf32, #tpu.memory_space<hbm>>
    tpu.wait_indirect_dma semaphore(%arg7 : memref<!tpu.dma_semaphore, #tpu.memory_space<semaphore_mem>>) src(%dma_wait3A_6 : memref<1024x128xf32, #tpu.memory_space<hbm>>) dst(%arg6 : memref<288x128xf32, #tpu.memory_space<vmem>>)
    "tpu.region"() ({
      %run_scoped3A = tpu.sem_alloc : memref<!tpu.dma_semaphore, #tpu.memory_space<semaphore_mem>>
      %dma_start3A_7 = arith.constant 0 : i32
      %dma_start3A_8 = tpu.memref_slice %arg4[%mul3A_2, %dma_start3A_7] : memref<9216x128xf32, #tpu.memory_space<hbm>> -> memref<288x128xf32, #tpu.memory_space<hbm>>
      %dma_start3A_9 = arith.constant 0 : i32
      %dma_start3A_10 = tpu.memref_slice %arg4[%mul3A_2, %dma_start3A_9] : memref<9216x128xf32, #tpu.memory_space<hbm>> -> memref<288x128xf32, #tpu.memory_space<hbm>>
      tpu.enqueue_dma source(%arg6 : memref<288x128xf32, #tpu.memory_space<vmem>>) target(%dma_start3A_10 : memref<288x128xf32, #tpu.memory_space<hbm>>) target_semaphore(%run_scoped3A : memref<!tpu.dma_semaphore, #tpu.memory_space<semaphore_mem>>)
      %dma_wait3A_11 = arith.constant 0 : i32
      %dma_wait3A_12 = tpu.memref_slice %arg4[%mul3A_2, %dma_wait3A_11] : memref<9216x128xf32, #tpu.memory_space<hbm>> -> memref<288x128xf32, #tpu.memory_space<hbm>>
      %dma_wait3A_13 = arith.constant 0 : i32
      %dma_wait3A_14 = tpu.memref_slice %arg4[%mul3A_2, %dma_wait3A_13] : memref<9216x128xf32, #tpu.memory_space<hbm>> -> memref<288x128xf32, #tpu.memory_space<hbm>>
      tpu.wait_dma2 semaphore(%run_scoped3A : memref<!tpu.dma_semaphore, #tpu.memory_space<semaphore_mem>>) src(%arg6 : memref<288x128xf32, #tpu.memory_space<vmem>>) dst(%dma_wait3A_14 : memref<288x128xf32, #tpu.memory_space<hbm>>)
      tpu.yield
    }) : () -> ()
    return
  }
}

module attributes {stable_mosaic.version = 14 : i64} {
  func.func @_argmin_body(%arg0: i32, %arg1: memref<3072x64xf32, #tpu.memory_space<vmem>>, %arg2: memref<64x1024xf32, #tpu.memory_space<vmem>>, %arg3: memref<3072xi32, #tpu.memory_space<vmem>>, %arg4: memref<1024x128xf32, #tpu.memory_space<vmem>>) attributes {dimension_semantics = [#tpu.dimension_semantics<arbitrary>], iteration_bounds = array<i64: 3>, scalar_prefetch = 0 : i64, scratch_operands = 0 : i64, tpu.core_type = #tpu.core_type<tc>, window_params = [{transform_indices = @transform_0, window_bounds = array<i64: 3072, 64>}, {pipeline_mode = #tpu.pipeline_mode<synchronous>, transform_indices = @transform_1, window_bounds = array<i64: 64, 1024>}, {transform_indices = @transform_2, window_bounds = array<i64: 3072>}, {pipeline_mode = #tpu.pipeline_mode<synchronous>, transform_indices = @transform_3, window_bounds = array<i64: 1024, 128>}]} {
    %eq3A = arith.constant 0 : i32
    %eq3A_0 = arith.cmpi eq, %arg0, %eq3A : i32
    %convert_element_type3A = arith.extui %eq3A_0 : i1 to i32
    %cond3A = arith.constant 0 : i32
    %cond3A_1 = arith.cmpi ne, %convert_element_type3A, %cond3A : i32
    scf.if %cond3A_1 {
      %get3A_110 = arith.constant 0 : index
      %get3A_111 = arith.constant 0 : index
      %get3A_112 = vector.load %arg2[%get3A_110, %get3A_111] : memref<64x1024xf32, #tpu.memory_space<vmem>>, vector<64x1024xf32>
      %transpose3A_113 = tpu.transpose %get3A_112, [1, 0] : vector<64x1024xf32> -> vector<1024x64xf32>
      %broadcast_in_dim3A_114 = arith.constant 0.000000e+00 : f32
      %broadcast_in_dim3A_115 = vector.broadcast %broadcast_in_dim3A_114 : f32 to vector<1024x64xf32>
      %concatenate3A = tpu.concatenate %transpose3A_113, %broadcast_in_dim3A_115 in 1 : vector<1024x64xf32>, vector<1024x64xf32> -> vector<1024x128xf32>
      %swap3A_116 = arith.constant 0 : index
      %swap3A_117 = arith.constant 0 : index
      %swap3A_118 = vector.load %arg4[%swap3A_116, %swap3A_117] : memref<1024x128xf32, #tpu.memory_space<vmem>>, vector<1024x128xf32>
      tpu.vector_store %arg4[%swap3A_116, %swap3A_117], %concatenate3A {strides = array<i32>} : memref<1024x128xf32, #tpu.memory_space<vmem>>, vector<1024x128xf32>,
    } else {
    }
    %get3A = arith.constant 0 : index
    %get3A_2 = arith.constant 0 : index
    %get3A_3 = vector.load %arg1[%get3A, %get3A_2] : memref<3072x64xf32, #tpu.memory_space<vmem>>, vector<3072x64xf32>
    %get3A_4 = arith.constant 0 : index
    %get3A_5 = arith.constant 0 : index
    %get3A_6 = vector.load %arg2[%get3A_4, %get3A_5] : memref<64x1024xf32, #tpu.memory_space<vmem>>, vector<64x1024xf32>
    %add3A = arith.addf %get3A_6, %get3A_6 : vector<64x1024xf32>
    %dot_general3A = arith.constant dense<0.000000e+00> : vector<3072x1024xf32>
    %dot_general3A_7 = tpu.matmul %get3A_3, %add3A, %dot_general3A {dimension_numbers = #tpu.dot_dimension_numbers<[1], [0], [0], [1], [0, 0, 1, 1], [], []>, transpose_lhs_hint = false} : vector<3072x64xf32>, vector<64x1024xf32>, vector<3072x1024xf32> -> vector<3072x1024xf32>
    %mul3A = arith.mulf %get3A_3, %get3A_3 : vector<3072x64xf32>
    %reduce_sum3A = arith.constant dense<0.000000e+00> : vector<3072xf32>
    %reduce_sum3A_8 = vector.multi_reduction <add>, %mul3A, %reduce_sum3A [1] : vector<3072x64xf32> to vector<3072xf32>
    %broadcast_in_dim3A = vector.shape_cast %reduce_sum3A_8 : vector<3072xf32> to vector<3072x1xf32>
    %mul3A_9 = arith.mulf %get3A_6, %get3A_6 : vector<64x1024xf32>
    %reduce_sum3A_10 = arith.constant dense<0.000000e+00> : vector<1024xf32>
    %reduce_sum3A_11 = vector.multi_reduction <add>, %mul3A_9, %reduce_sum3A_10 [0] : vector<64x1024xf32> to vector<1024xf32>
    %broadcast_in_dim3A_12 = vector.shape_cast %reduce_sum3A_11 : vector<1024xf32> to vector<1x1024xf32>
    %slice3A = vector.extract_strided_slice %broadcast_in_dim3A_12 {offsets = [0, 0], sizes = [1, 128], strides = [1, 1]} : vector<1x1024xf32> to vector<1x128xf32>
    %add3A_13 = vector.broadcast %broadcast_in_dim3A : vector<3072x1xf32> to vector<3072x128xf32>
    %add3A_14 = vector.broadcast %slice3A : vector<1x128xf32> to vector<3072x128xf32>
    %add3A_15 = arith.addf %add3A_13, %add3A_14 : vector<3072x128xf32>
    %slice3A_16 = vector.extract_strided_slice %dot_general3A_7 {offsets = [0, 0], sizes = [3072, 128], strides = [1, 1]} : vector<3072x1024xf32> to vector<3072x128xf32>
    %sub3A = arith.subf %add3A_15, %slice3A_16 : vector<3072x128xf32>
    %broadcast_in_dim3A_17 = arith.constant 0.000000e+00 : f32
    %broadcast_in_dim3A_18 = vector.broadcast %broadcast_in_dim3A_17 : f32 to vector<3072x128xf32>
    %slice3A_19 = vector.extract_strided_slice %broadcast_in_dim3A_12 {offsets = [0, 128], sizes = [1, 128], strides = [1, 1]} : vector<1x1024xf32> to vector<1x128xf32>
    %add3A_20 = vector.broadcast %broadcast_in_dim3A : vector<3072x1xf32> to vector<3072x128xf32>
    %add3A_21 = vector.broadcast %slice3A_19 : vector<1x128xf32> to vector<3072x128xf32>
    %add3A_22 = arith.addf %add3A_20, %add3A_21 : vector<3072x128xf32>
    %slice3A_23 = vector.extract_strided_slice %dot_general3A_7 {offsets = [0, 128], sizes = [3072, 128], strides = [1, 1]} : vector<3072x1024xf32> to vector<3072x128xf32>
    %sub3A_24 = arith.subf %add3A_22, %slice3A_23 : vector<3072x128xf32>
    %lt3A = arith.cmpf olt, %sub3A_24, %sub3A : vector<3072x128xf32>
    %select_n3A = arith.select %lt3A, %sub3A_24, %sub3A : vector<3072x128xi1>, vector<3072x128xf32>
    %jit3A = arith.constant 1.000000e+00 : f32
    %broadcast_in_dim3A_25 = vector.broadcast %jit3A : f32 to vector<3072x128xf32>
    %select_n3A_26 = arith.select %lt3A, %broadcast_in_dim3A_25, %broadcast_in_dim3A_18 : vector<3072x128xi1>, vector<3072x128xf32>
    %slice3A_27 = vector.extract_strided_slice %broadcast_in_dim3A_12 {offsets = [0, 256], sizes = [1, 128], strides = [1, 1]} : vector<1x1024xf32> to vector<1x128xf32>
    %add3A_28 = vector.broadcast %broadcast_in_dim3A : vector<3072x1xf32> to vector<3072x128xf32>
    %add3A_29 = vector.broadcast %slice3A_27 : vector<1x128xf32> to vector<3072x128xf32>
    %add3A_30 = arith.addf %add3A_28, %add3A_29 : vector<3072x128xf32>
    %slice3A_31 = vector.extract_strided_slice %dot_general3A_7 {offsets = [0, 256], sizes = [3072, 128], strides = [1, 1]} : vector<3072x1024xf32> to vector<3072x128xf32>
    %sub3A_32 = arith.subf %add3A_30, %slice3A_31 : vector<3072x128xf32>
    %lt3A_33 = arith.cmpf olt, %sub3A_32, %select_n3A : vector<3072x128xf32>
    %select_n3A_34 = arith.select %lt3A_33, %sub3A_32, %select_n3A : vector<3072x128xi1>, vector<3072x128xf32>
    %jit3A_35 = arith.constant 2.000000e+00 : f32
    %broadcast_in_dim3A_36 = vector.broadcast %jit3A_35 : f32 to vector<3072x128xf32>
    %select_n3A_37 = arith.select %lt3A_33, %broadcast_in_dim3A_36, %select_n3A_26 : vector<3072x128xi1>, vector<3072x128xf32>
    %slice3A_38 = vector.extract_strided_slice %broadcast_in_dim3A_12 {offsets = [0, 384], sizes = [1, 128], strides = [1, 1]} : vector<1x1024xf32> to vector<1x128xf32>
    %add3A_39 = vector.broadcast %broadcast_in_dim3A : vector<3072x1xf32> to vector<3072x128xf32>
    %add3A_40 = vector.broadcast %slice3A_38 : vector<1x128xf32> to vector<3072x128xf32>
    %add3A_41 = arith.addf %add3A_39, %add3A_40 : vector<3072x128xf32>
    %slice3A_42 = vector.extract_strided_slice %dot_general3A_7 {offsets = [0, 384], sizes = [3072, 128], strides = [1, 1]} : vector<3072x1024xf32> to vector<3072x128xf32>
    %sub3A_43 = arith.subf %add3A_41, %slice3A_42 : vector<3072x128xf32>
    %lt3A_44 = arith.cmpf olt, %sub3A_43, %select_n3A_34 : vector<3072x128xf32>
    %select_n3A_45 = arith.select %lt3A_44, %sub3A_43, %select_n3A_34 : vector<3072x128xi1>, vector<3072x128xf32>
    %jit3A_46 = arith.constant 3.000000e+00 : f32
    %broadcast_in_dim3A_47 = vector.broadcast %jit3A_46 : f32 to vector<3072x128xf32>
    %select_n3A_48 = arith.select %lt3A_44, %broadcast_in_dim3A_47, %select_n3A_37 : vector<3072x128xi1>, vector<3072x128xf32>
    %slice3A_49 = vector.extract_strided_slice %broadcast_in_dim3A_12 {offsets = [0, 512], sizes = [1, 128], strides = [1, 1]} : vector<1x1024xf32> to vector<1x128xf32>
    %add3A_50 = vector.broadcast %broadcast_in_dim3A : vector<3072x1xf32> to vector<3072x128xf32>
    %add3A_51 = vector.broadcast %slice3A_49 : vector<1x128xf32> to vector<3072x128xf32>
    %add3A_52 = arith.addf %add3A_50, %add3A_51 : vector<3072x128xf32>
    %slice3A_53 = vector.extract_strided_slice %dot_general3A_7 {offsets = [0, 512], sizes = [3072, 128], strides = [1, 1]} : vector<3072x1024xf32> to vector<3072x128xf32>
    %sub3A_54 = arith.subf %add3A_52, %slice3A_53 : vector<3072x128xf32>
    %lt3A_55 = arith.cmpf olt, %sub3A_54, %select_n3A_45 : vector<3072x128xf32>
    %select_n3A_56 = arith.select %lt3A_55, %sub3A_54, %select_n3A_45 : vector<3072x128xi1>, vector<3072x128xf32>
    %jit3A_57 = arith.constant 4.000000e+00 : f32
    %broadcast_in_dim3A_58 = vector.broadcast %jit3A_57 : f32 to vector<3072x128xf32>
    %select_n3A_59 = arith.select %lt3A_55, %broadcast_in_dim3A_58, %select_n3A_48 : vector<3072x128xi1>, vector<3072x128xf32>
    %slice3A_60 = vector.extract_strided_slice %broadcast_in_dim3A_12 {offsets = [0, 640], sizes = [1, 128], strides = [1, 1]} : vector<1x1024xf32> to vector<1x128xf32>
    %add3A_61 = vector.broadcast %broadcast_in_dim3A : vector<3072x1xf32> to vector<3072x128xf32>
    %add3A_62 = vector.broadcast %slice3A_60 : vector<1x128xf32> to vector<3072x128xf32>
    %add3A_63 = arith.addf %add3A_61, %add3A_62 : vector<3072x128xf32>
    %slice3A_64 = vector.extract_strided_slice %dot_general3A_7 {offsets = [0, 640], sizes = [3072, 128], strides = [1, 1]} : vector<3072x1024xf32> to vector<3072x128xf32>
    %sub3A_65 = arith.subf %add3A_63, %slice3A_64 : vector<3072x128xf32>
    %lt3A_66 = arith.cmpf olt, %sub3A_65, %select_n3A_56 : vector<3072x128xf32>
    %select_n3A_67 = arith.select %lt3A_66, %sub3A_65, %select_n3A_56 : vector<3072x128xi1>, vector<3072x128xf32>
    %jit3A_68 = arith.constant 5.000000e+00 : f32
    %broadcast_in_dim3A_69 = vector.broadcast %jit3A_68 : f32 to vector<3072x128xf32>
    %select_n3A_70 = arith.select %lt3A_66, %broadcast_in_dim3A_69, %select_n3A_59 : vector<3072x128xi1>, vector<3072x128xf32>
    %slice3A_71 = vector.extract_strided_slice %broadcast_in_dim3A_12 {offsets = [0, 768], sizes = [1, 128], strides = [1, 1]} : vector<1x1024xf32> to vector<1x128xf32>
    %add3A_72 = vector.broadcast %broadcast_in_dim3A : vector<3072x1xf32> to vector<3072x128xf32>
    %add3A_73 = vector.broadcast %slice3A_71 : vector<1x128xf32> to vector<3072x128xf32>
    %add3A_74 = arith.addf %add3A_72, %add3A_73 : vector<3072x128xf32>
    %slice3A_75 = vector.extract_strided_slice %dot_general3A_7 {offsets = [0, 768], sizes = [3072, 128], strides = [1, 1]} : vector<3072x1024xf32> to vector<3072x128xf32>
    %sub3A_76 = arith.subf %add3A_74, %slice3A_75 : vector<3072x128xf32>
    %lt3A_77 = arith.cmpf olt, %sub3A_76, %select_n3A_67 : vector<3072x128xf32>
    %select_n3A_78 = arith.select %lt3A_77, %sub3A_76, %select_n3A_67 : vector<3072x128xi1>, vector<3072x128xf32>
    %jit3A_79 = arith.constant 6.000000e+00 : f32
    %broadcast_in_dim3A_80 = vector.broadcast %jit3A_79 : f32 to vector<3072x128xf32>
    %select_n3A_81 = arith.select %lt3A_77, %broadcast_in_dim3A_80, %select_n3A_70 : vector<3072x128xi1>, vector<3072x128xf32>
    %slice3A_82 = vector.extract_strided_slice %broadcast_in_dim3A_12 {offsets = [0, 896], sizes = [1, 128], strides = [1, 1]} : vector<1x1024xf32> to vector<1x128xf32>
    %add3A_83 = vector.broadcast %broadcast_in_dim3A : vector<3072x1xf32> to vector<3072x128xf32>
    %add3A_84 = vector.broadcast %slice3A_82 : vector<1x128xf32> to vector<3072x128xf32>
    %add3A_85 = arith.addf %add3A_83, %add3A_84 : vector<3072x128xf32>
    %slice3A_86 = vector.extract_strided_slice %dot_general3A_7 {offsets = [0, 896], sizes = [3072, 128], strides = [1, 1]} : vector<3072x1024xf32> to vector<3072x128xf32>
    %sub3A_87 = arith.subf %add3A_85, %slice3A_86 : vector<3072x128xf32>
    %lt3A_88 = arith.cmpf olt, %sub3A_87, %select_n3A_78 : vector<3072x128xf32>
    %select_n3A_89 = arith.select %lt3A_88, %sub3A_87, %select_n3A_78 : vector<3072x128xi1>, vector<3072x128xf32>
    %jit3A_90 = arith.constant 7.000000e+00 : f32
    %broadcast_in_dim3A_91 = vector.broadcast %jit3A_90 : f32 to vector<3072x128xf32>
    %select_n3A_92 = arith.select %lt3A_88, %broadcast_in_dim3A_91, %select_n3A_81 : vector<3072x128xi1>, vector<3072x128xf32>
    %iota3A = tpu.iota {dimensions = array<i32: 1>} : vector<3072x128xi32>
    %convert_element_type3A_93 = arith.sitofp %iota3A : vector<3072x128xi32> to vector<3072x128xf32>
    %mul3A_94 = arith.constant 1.280000e+02 : f32
    %mul3A_95 = vector.broadcast %mul3A_94 : f32 to vector<3072x128xf32>
    %mul3A_96 = arith.mulf %select_n3A_92, %mul3A_95 : vector<3072x128xf32>
    %add3A_97 = arith.addf %mul3A_96, %convert_element_type3A_93 : vector<3072x128xf32>
    %transpose3A = tpu.transpose %select_n3A_89, [1, 0] : vector<3072x128xf32> -> vector<128x3072xf32>
    %transpose3A_98 = tpu.transpose %add3A_97, [1, 0] : vector<3072x128xf32> -> vector<128x3072xf32>
    %reduce_min3A = arith.constant dense<0x7F800000> : vector<3072xf32>
    %reduce_min3A_99 = vector.multi_reduction <minimumf>, %transpose3A, %reduce_min3A [0] : vector<128x3072xf32> to vector<3072xf32>
    %broadcast_in_dim3A_100 = vector.shape_cast %reduce_min3A_99 : vector<3072xf32> to vector<1x3072xf32>
    %eq3A_101 = vector.broadcast %broadcast_in_dim3A_100 : vector<1x3072xf32> to vector<128x3072xf32>
    %eq3A_102 = arith.cmpf oeq, %transpose3A, %eq3A_101 : vector<128x3072xf32>
    %jit3A_103 = arith.constant 1.024000e+03 : f32
    %broadcast_in_dim3A_104 = vector.broadcast %jit3A_103 : f32 to vector<128x3072xf32>
    %select_n3A_105 = arith.select %eq3A_102, %transpose3A_98, %broadcast_in_dim3A_104 : vector<128x3072xi1>, vector<128x3072xf32>
    %reduce_min3A_106 = arith.constant dense<0x7F800000> : vector<3072xf32>
    %reduce_min3A_107 = vector.multi_reduction <minimumf>, %select_n3A_105, %reduce_min3A_106 [0] : vector<128x3072xf32> to vector<3072xf32>
    %convert_element_type3A_108 = arith.fptosi %reduce_min3A_107 : vector<3072xf32> to vector<3072xi32>
    %swap3A = arith.constant 0 : index
    %swap3A_109 = vector.load %arg3[%swap3A] : memref<3072xi32, #tpu.memory_space<vmem>>, vector<3072xi32>
    tpu.vector_store %arg3[%swap3A], %convert_element_type3A_108 {strides = array<i32>} : memref<3072xi32, #tpu.memory_space<vmem>>, vector<3072xi32>,
    return
  }
  func.func @transform_0(%arg0: i32) -> (i32, i32) {
    %c0_i32 = arith.constant 0 : i32
    %c0_i32_0 = arith.constant 0 : i32
    return %arg0, %c0_i32 : i32, i32
  }
  func.func @transform_1(%arg0: i32) -> (i32, i32) {
    %c0_i32 = arith.constant 0 : i32
    %c0_i32_0 = arith.constant 0 : i32
    %c0_i32_1 = arith.constant 0 : i32
    return %c0_i32, %c0_i32_0 : i32, i32
  }
  func.func @transform_2(%arg0: i32) -> i32 {
    %c0_i32 = arith.constant 0 : i32
    return %arg0 : i32
  }
  func.func @transform_3(%arg0: i32) -> (i32, i32) {
    %c0_i32 = arith.constant 0 : i32
    %c0_i32_0 = arith.constant 0 : i32
    %c0_i32_1 = arith.constant 0 : i32
    return %c0_i32, %c0_i32_0 : i32, i32
  }
}

</mosaic_0001>

<sc_bundles>
// kernel: kernel.4.cloned.1.call-start
scs
__scs_entry_jumppad:
0x0: {  	(pc) =	sbr.rel $0x88, $3  }
0x1: {  	(tag) =	ssettag $0x0;
	lr =	simm.s32 $0x1  }
0x2: {  	[smem:$0x3F9F] =	sst lr;
	_ =	strace $0xD0000000  }
0x3: {  	_ = 	snop  }
0x4: {  	_ = 	snop  }
0x5: {  	_ = 	snop  }
0x6: {  	_ = 	snop  }
0x7: {  	_ = 	snop  }
__scs_overlays_trampoline_lowered:
0x8: {  	[smem:$0x3FAE] =	sst s0  }
0x9: {  	[smem:$0x3FAF] =	sst s1  }
0xa: {  	[smem:$0x3FB0] =	sst s2  }
0xb: {  	[smem:$0x3FB1] =	sst s3  }
0xc: {  	[smem:$0x3FB2] =	sst s4  }
0xd: {  	[smem:$0x3FB3] =	sst s5  }
0xe: {  	[smem:$0x3FB4] =	sst s6  }
0xf: {  	[smem:$0x3FB5] =	sst s7  }
0x10: {  	[smem:$0x3FB6] =	sst s8  }
0x11: {  	[smem:$0x3FB7] =	sst s9;
	s0 =	simm.s32 @!p0 $0x0  }
0x12: {  	s1 =	sld [smem:$0x3F9D];
	s0 =	simm.s32 @p0 $0x1  }
0x13: {  	[smem:$0x3FB8] =	sst s0;
	s0 =	simm.s32 @!p1 $0x0  }
0x14: {  	s2 =	sld [smem:$0x3F9C];
	s0 =	simm.s32 @p1 $0x1  }
0x15: {  	[smem:$0x3FB9] =	sst s0;
	s0 =	simm.s32 @!p2 $0x0  }
0x16: {  	s3 =	sld [smem:$0x3FDB];
	s0 =	simm.s32 @p2 $0x1  }
0x17: {  	s4 =	simm.s32 $0x1BF5;
	[smem:$0x3FBB] =	sst s0  }
0x18: {  	s0 =	sld [smem:$0x3F9E];
	_ =	swait.ge [sflag:s4], $0x0  }
0x19: {  	s7 =	sld [smem:$0x3F9F]  }
0x1a: {  	s8 =	sadd.s32 $0xFFFFE003, lr  }
0x1b: {  	s9 =	sadd.s32 $0xFFFFFEF7, lr;
	s5 =	simm.s32 $0xFFFFFFFF;
	p2 =	slt.u32 s8, $0xFFFFF086  }
0x1c: {  	p1 =	slt.u32 s9, $0xF7A;
	s5 =	simm.s32 @!p2 $0x0  }
0x1d: {  	s5 =	simm.s32 @p1 $0x1;
	p0 =	seq.s32 s7, s2  }
0x1e: {  	s7 =	smul.u32 @!p0 $0xF7A, s2;
	p2 =	seq.s32 @!p0 s5, $0x0  }
0x1f: {  	s9 =	smul.u32 $0xF7A, s1;
	s8 =	simm.s32 @!p0 $0x1BF5;
	p2 =	por !p2, p0  }
0x20: {  	[sflag:s8] =	ssyncset.s32 @!p0 $0xFFFFF086;
	s6 =	sadd.s32 @!p0 s3, s7;
	s7 =	simm.s32 @!p0 $0x108  }
0x21: {  	s3 =	sadd.s32 s3, s9;
	s6 =	sadd.s32 @!p0 $0x88, s6;
	s7 =	simm.s32 @p2 $0x1082  }
0x22: {  	[simem:s7], [sflag:s8] =	dma.local @!p0 [hbm:s6], $0xF7A  }
0x23: {  	s9 =	sor.u32 $0xD0000000, s2;
	s6 =	simm.s32 $0x108;
	_ =	swait.ge @!p0 [sflag:s8], $0x0  }
0x24: {  	s3 =	sadd.s32 $0x88, s3;
	s6 =	simm.s32 @!p1 $0x1082;
	[sflag:s4] =	ssyncset.s32 $0xFFFFF086  }
0x25: {  	[simem:s6], [sflag:s4] =	dma.local [hbm:s3], $0xF7A  }
0x26: {  	[smem:$0x3F9F] =	sst s1;
	(tag) =	ssettag s2;
	_ =	strace s9  }
0x27: {  	s1 =	sld [smem:$0x3FAF]  }
0x28: {  	s2 =	sld [smem:$0x3FB0]  }
0x29: {  	s4 =	sld [smem:$0x3FB2]  }
0x2a: {  	p0 =	seq.s32 s5, $0x0;
	s5 =	sld [smem:$0x3FB3]  }
0x2b: {  	s6 =	sld [smem:$0x3FB4]  }
0x2c: {  	s7 =	sld [smem:$0x3FB5]  }
0x2d: {  	s3 =	simm.s32 $0x108;
	s8 =	sld [smem:$0x3FB6]  }
0x2e: {  	s3 =	simm.s32 @!p0 $0x1082;
	s9 =	sld [smem:$0x3FB7]  }
0x2f: {  	lr =	sadd.s32 s0, s3;
	s0 =	sld [smem:$0x3FAE]  }
0x30: {  	s3 =	sld [smem:$0x3FB1]  }
0x31: {  	[smem:$0x3FBA] =	sst s10  }
0x32: {  	s10 =	sld [smem:$0x3FB8];
	_ =	sdelay $0x3  }
0x33: {  	p0 =	seq.s32 s10, $0x1;
	s10 =	sld [smem:$0x3FBA];
	_ =	sdelay $0x3  }
0x34: {  	[smem:$0x3FBA] =	sst s10  }
0x35: {  	s10 =	sld [smem:$0x3FB9];
	_ =	sdelay $0x3  }
0x36: {  	p1 =	seq.s32 s10, $0x1;
	s10 =	sld [smem:$0x3FBA];
	_ =	sdelay $0x3  }
0x37: {  	[smem:$0x3FBA] =	sst s10  }
0x38: {  	s10 =	sld [smem:$0x3FBB]  }
0x39: {  	_ = 	snop;
	(pc) =	sbr.ind lr, $3  }
0x3a: {  	_ = 	snop  }
0x3b: {  	_ = 	snop  }
0x3c: {  	p2 =	seq.s32 s10, $0x1;
	s10 =	sld [smem:$0x3FBA]  }
0x3d: {  	_ =	shalt  }
0x3e: {  	_ =	shalt  }
0x3f: {  	_ =	shalt  }
0x40: {  	_ =	shalt  }
0x41: {  	_ =	shalt  }
0x42: {  	_ =	shalt  }
0x43: {  	_ =	shalt  }
0x44: {  	_ =	shalt  }
0x45: {  	_ =	shalt  }
0x46: {  	_ =	shalt  }
0x47: {  	_ =	shalt  }
0x48: {  	_ =	shalt  }
0x49: {  	_ =	shalt  }
0x4a: {  	_ =	shalt  }
0x4b: {  	_ =	shalt  }
0x4c: {  	_ =	shalt  }
0x4d: {  	_ =	shalt  }
0x4e: {  	_ =	shalt  }
0x4f: {  	_ =	shalt  }
0x50: {  	_ =	shalt  }
0x51: {  	_ =	shalt  }
0x52: {  	_ =	shalt  }
0x53: {  	_ =	shalt  }
0x54: {  	_ =	shalt  }
0x55: {  	_ =	shalt  }
0x56: {  	_ =	shalt  }
0x57: {  	_ =	shalt  }
0x58: {  	_ =	shalt  }
0x59: {  	_ =	shalt  }
0x5a: {  	_ =	shalt  }
0x5b: {  	_ =	shalt  }
0x5c: {  	_ =	shalt  }
0x5d: {  	_ =	shalt  }
0x5e: {  	_ =	shalt  }
0x5f: {  	_ =	shalt  }
0x60: {  	_ =	shalt  }
0x61: {  	_ =	shalt  }
0x62: {  	_ =	shalt  }
0x63: {  	_ =	shalt  }
0x64: {  	_ =	shalt  }
0x65: {  	_ =	shalt  }
0x66: {  	_ =	shalt  }
0x67: {  	_ =	shalt  }
0x68: {  	_ =	shalt  }
0x69: {  	_ =	shalt  }
0x6a: {  	_ =	shalt  }
0x6b: {  	_ =	shalt  }
0x6c: {  	_ =	shalt  }
0x6d: {  	_ =	shalt  }
0x6e: {  	_ =	shalt  }
0x6f: {  	_ =	shalt  }
0x70: {  	_ =	shalt  }
0x71: {  	_ =	shalt  }
0x72: {  	_ =	shalt  }
0x73: {  	_ =	shalt  }
0x74: {  	_ =	shalt  }
0x75: {  	_ =	shalt  }
0x76: {  	_ =	shalt  }
0x77: {  	_ =	shalt  }
0x78: {  	_ =	shalt  }
0x79: {  	_ =	shalt  }
0x7a: {  	_ =	shalt  }
0x7b: {  	_ =	shalt  }
0x7c: {  	_ =	shalt  }
0x7d: {  	_ =	shalt  }
0x7e: {  	_ =	shalt  }
0x7f: {  	_ =	shalt  }
0x80: {  	_ =	shalt  }
0x81: {  	_ =	shalt  }
0x82: {  	_ =	shalt  }
0x83: {  	_ =	shalt  }
0x84: {  	_ =	shalt  }
0x85: {  	_ =	shalt  }
0x86: {  	_ =	shalt  }
0x87: {  	_ =	shalt  }
.Lfunc_end0:
.L_simem_size_0:
called_computation_lowered:
.L_overlay_start_0:
0x88: {  	s2 =	sld [smem:$0x3FD9]  }
0x89: {  	s3 =	sld [smem:$0x3FFE];
	_ =	sdelay $0x1  }
0x8a: {  	s1 =	srdreg.scid  }
0x8b: {  	s0 =	sand.u32 $0x1, s1  }
0x8c: {  	s17 =	sshll.u32 s0, $0xA;
	s2 =	sadd.s32 s3, s2  }
0x8d: {  	s2 =	sadd.s32 s2, s17  }
0x8e: {  	[smem:$0x3FC6] =	sst s2  }
0x8f: {  	_ = 	snop  }
0x90: {  	s2 =	sld [smem:$0x3FD0];
	(tm) =	ssettm $0x1  }
0x91: {  	s18 =	sld [smem:$0x3FFB];
	_ =	sdelay $0x3  }
0x92: {  	_ =	strace s18  }
0x93: {  	s3 =	sld [smem:$0x3FFC];
	_ =	sdelay $0x3  }
0x94: {  	_ =	strace s3  }
0x95: {  	s3 =	sld [smem:$0x3FFD];
	_ =	sdelay $0x3  }
0x96: {  	_ =	strace s3  }
0x97: {  	_ =	strace $0x8FFFFFFF  }
0x98: {  	s19 =	sld [smem:$0x3FDB];
	_ =	sdelay $0x1  }
0x99: {  	s4 =	simm.s32 $_scs_section_size  }
0x9a: {  	s5 =	simm.s32 $_size__tile_overlayer_lowered;
	s6 =	simm.s32 $_tile_overlayer_lowered  }
0x9b: {  	s22 =	simm.s32 $0x1BFF;
	s21 =	sshll.u32 s6, $0x1;
	s3 =	sadd.s32 s4, s19  }
0x9c: {  	s7 =	simm.s32 $0x0;
	s20 =	sshll.u32 s5, $0x1;
	s5 =	sadd.s32 s21, s3  }
0x9d: {  	[timem:s7], [sflag:s22] =	dma.local [hbm:s5], s20  }
0x9e: {  	_ =	swait.ge [sflag:s22], s20  }
0x9f: {  	s4 =	ssub.s32 $0x0, s20;
	[sflag:s22] =	ssyncset.done $0x0  }
0xa0: {  	[sflag:s22] =	ssyncadd.s32 s4;
	_ =	sdelay $0x1  }
0xa1: {  	s23 =	simm.s32 $0x1B8B  }
0xa2: {  	_ =	swait.ge [sflag:s23], $0x1  }
0xa3: {  	[sflag:s23] =	ssyncset.done $0x0  }
0xa4: {  	s25 =	simm.s32 $0x1B8E;
	s24 =	sld [smem:$0x3FFE];
	[sflag:s23] =	ssyncadd.s32 $0xFFFFFFFF  }
0xa5: {  	s26 =	simm.s32 $execute0_lowered;
	[smem:$0x3FD2] =	sst s25  }
0xa6: {  	s5 =	sshll.u32 s26, $0x1;
	_ =	strace $0x80000046;
	[dreg:$0x1] =	wrdreg $0xFFFFFFFF  }
0xa7: {  	s28 =	simm.s32 $_size_execute0_lowered;
	s3 =	sadd.s32 s3, s5;
	[dreg:$0x0] =	wrdreg $0x0  }
0xa8: {  	s5 =	sshll.u32 s28, $0x1;
	[dreg:$0x2] =	wrdreg s3  }
0xa9: {  	[dreg:$0x3] =	wrdreg s5  }
0xaa: {  	[dreg:$0x4] =	wrdreg $0xC0  }
0xab: {  	_ =	task [dreg:s7], $0x5FFFF  }
0xac: {  	[dreg:$0x1] =	wrdreg $0xFFFFFFFF  }
0xad: {  	[dreg:$0x0] =	wrdreg $0x60  }
0xae: {  	[dreg:$0x2] =	wrdreg s24  }
0xaf: {  	[dreg:$0x3] =	wrdreg s2  }
0xb0: {  	[dreg:$0x4] =	wrdreg $0x9  }
0xb1: {  	_ =	task.clear_ibuf [dreg:s7], $0x5FFFF;
	_ =	strace $0x90000046  }
0xb2: {  	s29 =	simm.s32 $0x9;
	_ =	strace $0x80000048  }
0xb3: {  	_ =	swait.ge [sflag:s29], $0x1  }
0xb4: {  	[sflag:s29] =	ssyncadd.s32 $0xFFFFFFFF  }
0xb5: {  	_ =	strace $0x90000048  }
0xb6: {  	_ =	sfence  }
0xb7: {  	s30 =	sld [smem:$0x0];
	_ =	sdelay $0x2  }
0xb8: {  	s31 =	sshll.u32 s1, $0xD;
	s1 =	sshrl.u32 s1, $0x2  }
0xb9: {  	s3 =	sand.u32 $0x4000, s31;
	s1 =	sadd.s32 s1, s30  }
0xba: {  	s0 =	sor.u32 s3, s0;
	s1 =	sshll.u32 s1, $0x11  }
0xbb: {  	s0 =	sor.u32 s1, s0  }
0xbc: {  	s0 =	sadd.s32 $0x8F2B, s0  }
0xbd: {  	[sflag:s0] =	ssyncadd.remote.s32 $0x1  }
0xbe: {  	_ =	sfence.sel $0xFFFF  }
0xbf: {  	[dreg:$0x0] =	wrdreg $0xFFFFFFFF;
	(pc) =	sbr.abs _section_cstart, $3  }
0xc0: {  	[dreg:$0x1] =	wrdreg $0xFFFFFFFF  }
0xc1: {  	_ =	task.clear_ibuf [dreg:s7], $0x2FFFF;
	_ =	strace $0x9FFFFFFF  }
0xc2: {  	(tm) =	ssettm $0x7FFFFFFF  }
0xc3: {  	_ =	shalt  }
tec
execute0_lowered:
.L_overlay_start_1:
0x0: {  	(tag) =	ssettag $0x1  }
0x1: {  	s1 =	srdreg.scid;
	s0 =	stileid.u32  }
0x2: {  	s6 =	sand.u32 $0x1, s1;
	s30 =	sshll.u32 s0, $0x1  }
0x3: {  	s5 =	rddreg [dreg:$0x0];
	s9 =	sor.u32 s6, s30  }
0x4: {  	s10 =	rddreg [dreg:$0x1];
	s2 =	simm.s32 $0x0;
	s3 =	smul.u32 $0x24, s9  }
0x5: {  	s7 =	simm.s32 $0x180;
	[smem:$0x7FF] =	sst s2  }
0x6: {  	s1 =	rddreg [dreg:$0x2];
	_ =	strace $0x80000047;
	s3 =	sadd.s32 s3, s5  }
0x7: {  	s11 =	ssub.s32 $0x2, s6;
	s4 =	sadd.s32 $0x4E00, s3;
	s3 =	simm.s32 $0x2  }
0x8: {  	[tilespmem:s2], [sflag:$0x2] =	stream.linear.gather [hbm4b:s4+s2], $0x120, $0x38;
	[tilespmem:$0x9180] =	vst v63  }
0x9: {  	s8 =	simm.s32 $0x1;
	s12 =	sshrl.u32 s11, $0x1;
	_ =	swait.ge [sflag:s3], $0x120  }
0xa: {  	s6 =	simm.s32 $0x120;
	s11 =	ssub.s32 s11, s12;
	[sflag:s3] =	ssyncset.done $0x0  }
0xb: {  	s5 =	sadd.s32 $0xE00, s5;
	s31 =	smax.u32 s11, $0x1;
	[sflag:s3] =	ssyncadd.s32 $0xFFFFFEE0  }
0xc: {  	[tilespmem:s7], [sflag:$0x1] =	stream.indirect.gather [hbm4b:s5+s6], $0x80, s2, s6, $0xb8;
	[tilespmem:$0x9180] =	vst v63  }
0xd: {  	s9 =	smul.u32 $0x1200, s9;
	p0 =	sne.s32 s31, $0x1;
	_ =	swait.ge [sflag:s8], $0x9000  }
.Ltmp0:
0xe: {  	[sflag:s8] =	ssyncset.done $0x0;
	(pc) =	sbr.rel @!p0 .LBB2_2-.Ltmp0, $4  }
0xf: {  	s9 =	sadd.s32 s10, s9;
	[sflag:s8] =	ssyncadd.s32 $0xFFFF7000  }
0x10: {  	[hbm4b:s9+s2] =	stream.linear.scatter [tilespmem:s7], [sflag:$0x2], $0x9000, $0x38;
	[tilespmem:$0x9180] =	vst v63  }
0x11: {  	_ =	swait.ge [sflag:s3], $0x9000  }
0x12: {  	s10 =	sadd.s32 $0xFFFFFFFF, s31;
	[sflag:s3] =	ssyncset.done $0x0  }
.LBB2_1:
0x13: {  	p0 =	sne.s32 s10, $0x1;
	s10 =	sadd.s32 $0xFFFFFFFF, s10;
	[sflag:s3] =	ssyncadd.s32 $0xFFFF7000  }
0x14: {  	[tilespmem:s2], [sflag:$0x2] =	stream.linear.gather [hbm4b:s4+s2], $0x120, $0x38;
	[tilespmem:$0x9180] =	vst v63  }
0x15: {  	_ =	swait.ge [sflag:s3], $0x120  }
0x16: {  	[sflag:s3] =	ssyncset.done $0x0  }
0x17: {  	[sflag:s3] =	ssyncadd.s32 $0xFFFFFEE0  }
0x18: {  	[tilespmem:s7], [sflag:$0x1] =	stream.indirect.gather [hbm4b:s5+s6], $0x80, s2, s6, $0xb8;
	[tilespmem:$0x9180] =	vst v63  }
0x19: {  	_ =	swait.ge [sflag:s8], $0x9000  }
.Ltmp1:
0x1a: {  	[sflag:s8] =	ssyncset.done $0x0;
	(pc) =	sbr.rel @p0 .LBB2_1-.Ltmp1, $4  }
0x1b: {  	[sflag:s8] =	ssyncadd.s32 $0xFFFF7000  }
0x1c: {  	[hbm4b:s9+s2] =	stream.linear.scatter [tilespmem:s7], [sflag:$0x2], $0x9000, $0x38;
	[tilespmem:$0x9180] =	vst v63  }
0x1d: {  	_ =	swait.ge [sflag:s3], $0x9000  }
0x1e: {  	[sflag:s3] =	ssyncset.done $0x0  }
.LBB2_2:
0x1f: {  	[sflag:s3] =	ssyncadd.s32 $0xFFFF7000  }
0x20: {  	_ =	sfence.sel $0x180000  }
0x21: {  	[bflag:$0x0] =	sbarrier.arrive $0xFFFF  }
0x22: {  	p0 =	sne.s32 s0, $0x0;
	_ =	strace $0x90000047  }
0x23: {  	s0 =	sadd.s32 @!p0 $0x100000, s1;
	[bflag:$0x2] =	sbarrier.arrive $0xFFFF  }
0x24: {  	[sflag:s0] =	ssyncadd.tile.s32 @!p0 $0x1;
	_ =	shalt  }
.Lfunc_end2:
_tile_overlayer_lowered:
.L_overlay_start_2:
0x25: {  	(tag) =	ssettag $0x2  }
0x26: {  	s0 =	rddreg [dreg:$0x0];
	s2 =	stileid.u32  }
0x27: {  	s1 =	rddreg [dreg:$0x1];
	p0 =	sne.s32 s2, $0x0  }
0x28: {  	s3 =	rddreg [dreg:$0x2];
	[bflag:$0x3] =	sbarrier.arrive $0xFFFF;
	s2 =	simm.s32 @!p0 $0x1C02  }
0x29: {  	[timem:s3], [sflag:s2] =	dma.local @!p0 [hbm:s0], s1  }
0x2a: {  	s0 =	simm.s32 @!p0 $0x2  }
0x2b: {  	_ =	swait.ge @!p0 [sflag:s0], s1  }
0x2c: {  	s1 =	ssub.s32 @!p0 $0x0, s1;
	[sflag:s0] =	ssyncset.done @!p0 $0x0  }
0x2d: {  	[sflag:s0] =	ssyncadd.s32 @!p0 s1  }
0x2e: {  	[bflag:$0x3] =	sbarrier.arrive $0xFFFF  }
0x2f: {  	_ =	shalt  }

</sc_bundles>
